<compile_context>
chip_gen: v7x
topology: tpu7x:2x2x1
jax: 0.10.2.dev20260603
libtpu: 0.0.44.dev20260713+nightly
codegen_flags: <defaults>
</compile_context>

<pallas_src>
import jax
import jax.numpy as jnp
from jax import lax
from jax.experimental import pallas as pl
from jax.experimental.pallas import tpu as pltpu
from jax.experimental.pallas import tpu_sc as plsc

OBJ = 1024
ATTR = 8
DIM = 256
BATCH = 4
SEQ = OBJ * ATTR

BATCH_SC = 2

_info = plsc.get_sparse_core_info()
_NC, _NS, _L = _info.num_cores, _info.num_subcores, _info.num_lanes
_NW = _NC * _NS
_ROWS_W = SEQ // _NW
_CHUNK = 128

_BLOCK_S = 512
_TROWS = _BLOCK_S // ATTR


def _sc_body(table_hbm, idx_hbm, out_hbm, idx_v, rows_v, sem, wsem):
    wid = lax.axis_index("s") * _NC + lax.axis_index("c")
    base = wid * _ROWS_W
    pltpu.sync_copy(idx_hbm.at[wid], idx_v)
    gathers = [
        pltpu.async_copy(
            table_hbm.at[idx_v.at[c]],
            rows_v.at[pl.ds(c * _CHUNK, _CHUNK)],
            sem,
        )
        for c in range(_ROWS_W // _CHUNK)
    ]
    for cp in gathers:
        cp.wait()
    writes = [
        pltpu.async_copy(rows_v, out_hbm.at[b, pl.ds(base, _ROWS_W)], wsem)
        for b in range(BATCH_SC)
    ]
    for w in writes:
        w.wait()


def _tc_body(table_ref, out_ref):
    t = table_ref[...]
    e = jnp.broadcast_to(t[:, None, :], (_TROWS, ATTR, DIM))
    out_ref[0] = e.reshape(_BLOCK_S, DIM)


def kernel(x, E_object_index):
    del x
    idx = (jnp.arange(SEQ, dtype=jnp.int32) // ATTR).reshape(
        _NW, _ROWS_W // _CHUNK, _CHUNK
    )
    sc_run = pl.kernel(
        _sc_body,
        out_type=jax.ShapeDtypeStruct((BATCH_SC, SEQ, DIM), jnp.float32),
        mesh=plsc.VectorSubcoreMesh(core_axis_name="c", subcore_axis_name="s"),
        scratch_types=[
            pltpu.VMEM((_ROWS_W // _CHUNK, _CHUNK), jnp.int32),
            pltpu.VMEM((_ROWS_W, DIM), jnp.float32),
            pltpu.SemaphoreType.DMA,
            pltpu.SemaphoreType.DMA,
        ],
    )
    sc_out = sc_run(E_object_index, idx)
    tc_out = pl.pallas_call(
        _tc_body,
        grid=(SEQ // _BLOCK_S, BATCH - BATCH_SC),
        in_specs=[pl.BlockSpec((_TROWS, DIM), lambda i, b: (i, 0))],
        out_specs=pl.BlockSpec((1, _BLOCK_S, DIM), lambda i, b: (b, i, 0)),
        out_shape=jax.ShapeDtypeStruct((BATCH - BATCH_SC, SEQ, DIM), jnp.float32),
    )(E_object_index)
    return jnp.concatenate([sc_out, tc_out], axis=0)

# --- scband reference (transcript-rebuilt; emitter-appended) ---
"""Pipeline reference for scband-object-index-encoding-23880018165949 (READ-ONLY COPY).

The authoritative reference and input builder live on the scoring server;
editing this copy changes nothing except your own understanding.
"""

import jax, jax.numpy as jnp
import numpy as np

OBJECT_MAX_NUM = 1024
ATTRIBUTES_NUM = 8
E_DIMS = 256
BATCH = 4
SEQ = OBJECT_MAX_NUM * ATTRIBUTES_NUM  # 8192


def setup_inputs(seed: int = 0) -> dict:
    key = jax.random.key(seed)
    kx, kw = jax.random.split(key)
    x = jax.random.normal(kx, (BATCH, SEQ, E_DIMS), dtype=jnp.float32)
    E_object_index = jax.random.normal(kw, (OBJECT_MAX_NUM, E_DIMS), dtype=jnp.float32)
    return {"x": x, "E_object_index": E_object_index}


def reference(x, E_object_index):
    batch_size = x.shape[0]
    seq_length = x.shape[1]
    # relative_index = arange(object_max_num * attributes_num) // attributes_num
    relative_index = (jnp.arange(OBJECT_MAX_NUM * ATTRIBUTES_NUM, dtype=jnp.int32) // ATTRIBUTES_NUM)
    # index_select along dim 0 -> gather
    out = jnp.take(E_object_index, relative_index, axis=0)  # [seq, E_dims]
    # expand to (batch, seq, E_dims)
    out = jnp.broadcast_to(out, (batch_size, seq_length, E_DIMS))
    return out

if __name__ == "__main__":
    import jax
    _d = setup_inputs()
    print(jax.jit(kernel)(*tuple(_d.values())))

</pallas_src>

<mosaic_0001>
#map = affine_map<(d0, d1) -> (0, 0)>
#map1 = affine_map<(d0, d1) -> (0, 0, 0)>
module attributes {stable_mosaic.version = 14 : i64} {
  func.func @_sc_body(%arg0: i32, %arg1: i32, %arg2: memref<1024x256xf32, #tpu.memory_space<hbm>>, %arg3: memref<32x2x128xi32, #tpu.memory_space<hbm>>, %arg4: memref<2x8192x256xf32, #tpu.memory_space<hbm>>, %arg5: memref<2x128xi32, #tpu.memory_space<vmem>>, %arg6: memref<256x256xf32, #tpu.memory_space<vmem>>, %arg7: memref<!tpu.dma_semaphore, #tpu.memory_space<semaphore_mem>>, %arg8: memref<!tpu.dma_semaphore, #tpu.memory_space<semaphore_mem>>) attributes {dimension_semantics = [#tpu.dimension_semantics<core_parallel>, #tpu.dimension_semantics<subcore_parallel>], iteration_bounds = array<i64: 2, 16>, scalar_prefetch = 0 : i64, scratch_operands = 4 : i64, tpu.core_type = #tpu.core_type<sc_vector_subcore>, window_params = [{transform_indices = #map}, {transform_indices = #map1}, {transform_indices = #map1}]} {
    %mul3A = arith.constant 2 : i32
    %mul3A_0 = arith.muli %arg1, %mul3A : i32
    %add3A = arith.addi %mul3A_0, %arg0 : i32
    %mul3A_1 = arith.constant 256 : i32
    %mul3A_2 = arith.muli %add3A, %mul3A_1 : i32
    "tpu.region"() ({
      %run_scoped3A = tpu.sem_alloc : memref<!tpu.dma_semaphore, #tpu.memory_space<semaphore_mem>>
      %dma_start3A_69 = arith.constant 0 : i32
      %dma_start3A_70 = arith.constant 0 : i32
      %dma_start3A_71 = tpu.memref_slice %arg3[%add3A, %dma_start3A_69, %dma_start3A_70] : memref<32x2x128xi32, #tpu.memory_space<hbm>> -> memref<1x2x128xi32, #tpu.memory_space<hbm>>
      %dma_start3A_72 = tpu.memref_squeeze %dma_start3A_71 : memref<1x2x128xi32, #tpu.memory_space<hbm>> -> memref<2x128xi32, #tpu.memory_space<hbm>>
      %dma_start3A_73 = arith.constant 0 : i32
      %dma_start3A_74 = arith.constant 0 : i32
      %dma_start3A_75 = tpu.memref_slice %arg3[%add3A, %dma_start3A_73, %dma_start3A_74] : memref<32x2x128xi32, #tpu.memory_space<hbm>> -> memref<1x2x128xi32, #tpu.memory_space<hbm>>
      %dma_start3A_76 = tpu.memref_squeeze %dma_start3A_75 : memref<1x2x128xi32, #tpu.memory_space<hbm>> -> memref<2x128xi32, #tpu.memory_space<hbm>>
      tpu.enqueue_dma source(%dma_start3A_76 : memref<2x128xi32, #tpu.memory_space<hbm>>) target(%arg5 : memref<2x128xi32, #tpu.memory_space<vmem>>) target_semaphore(%run_scoped3A : memref<!tpu.dma_semaphore, #tpu.memory_space<semaphore_mem>>)
      %dma_wait3A_77 = arith.constant 0 : i32
      %dma_wait3A_78 = arith.constant 0 : i32
      %dma_wait3A_79 = tpu.memref_slice %arg3[%add3A, %dma_wait3A_77, %dma_wait3A_78] : memref<32x2x128xi32, #tpu.memory_space<hbm>> -> memref<1x2x128xi32, #tpu.memory_space<hbm>>
      %dma_wait3A_80 = tpu.memref_squeeze %dma_wait3A_79 : memref<1x2x128xi32, #tpu.memory_space<hbm>> -> memref<2x128xi32, #tpu.memory_space<hbm>>
      %dma_wait3A_81 = arith.constant 0 : i32
      %dma_wait3A_82 = arith.constant 0 : i32
      %dma_wait3A_83 = tpu.memref_slice %arg3[%add3A, %dma_wait3A_81, %dma_wait3A_82] : memref<32x2x128xi32, #tpu.memory_space<hbm>> -> memref<1x2x128xi32, #tpu.memory_space<hbm>>
      %dma_wait3A_84 = tpu.memref_squeeze %dma_wait3A_83 : memref<1x2x128xi32, #tpu.memory_space<hbm>> -> memref<2x128xi32, #tpu.memory_space<hbm>>
      tpu.wait_dma2 semaphore(%run_scoped3A : memref<!tpu.dma_semaphore, #tpu.memory_space<semaphore_mem>>) src(%dma_wait3A_84 : memref<2x128xi32, #tpu.memory_space<hbm>>) dst(%arg5 : memref<2x128xi32, #tpu.memory_space<vmem>>)
      tpu.yield
    }) : () -> ()
    %dma_start3A = arith.constant 0 : i32
    %dma_start3A_3 = arith.constant 0 : i32
    %dma_start3A_4 = arith.constant 0 : i32
    %dma_start3A_5 = tpu.memref_slice %arg6[%dma_start3A_3, %dma_start3A_4] : memref<256x256xf32, #tpu.memory_space<vmem>> -> memref<128x256xf32, #tpu.memory_space<vmem>>
    %dma_start3A_6 = arith.constant 0 : i32
    %dma_start3A_7 = tpu.memref_slice %arg5[%dma_start3A, %dma_start3A_6] : memref<2x128xi32, #tpu.memory_space<vmem>> -> memref<1x128xi32, #tpu.memory_space<vmem>>
    %dma_start3A_8 = tpu.memref_squeeze %dma_start3A_7 : memref<1x128xi32, #tpu.memory_space<vmem>> -> memref<128xi32, #tpu.memory_space<vmem>>
    %dma_start3A_9 = arith.constant 0 : i32
    %dma_start3A_10 = arith.constant 0 : i32
    %dma_start3A_11 = tpu.memref_slice %arg2[%dma_start3A_9, %dma_start3A_10] : memref<1024x256xf32, #tpu.memory_space<hbm>> -> memref<1024x256xf32, #tpu.memory_space<hbm>>
    tpu.enqueue_indirect_dma source(%dma_start3A_11 : memref<1024x256xf32, #tpu.memory_space<hbm>>) target(%dma_start3A_5 : memref<128x256xf32, #tpu.memory_space<vmem>>) offsets(%dma_start3A_8 : memref<128xi32, #tpu.memory_space<vmem>>) semaphore(%arg7 : memref<!tpu.dma_semaphore, #tpu.memory_space<semaphore_mem>>)
    %dma_start3A_12 = arith.constant 1 : i32
    %dma_start3A_13 = arith.constant 128 : i32
    %dma_start3A_14 = arith.constant 0 : i32
    %dma_start3A_15 = tpu.memref_slice %arg6[%dma_start3A_13, %dma_start3A_14] : memref<256x256xf32, #tpu.memory_space<vmem>> -> memref<128x256xf32, #tpu.memory_space<vmem>>
    %dma_start3A_16 = arith.constant 0 : i32
    %dma_start3A_17 = tpu.memref_slice %arg5[%dma_start3A_12, %dma_start3A_16] : memref<2x128xi32, #tpu.memory_space<vmem>> -> memref<1x128xi32, #tpu.memory_space<vmem>>
    %dma_start3A_18 = tpu.memref_squeeze %dma_start3A_17 : memref<1x128xi32, #tpu.memory_space<vmem>> -> memref<128xi32, #tpu.memory_space<vmem>>
    %dma_start3A_19 = arith.constant 0 : i32
    %dma_start3A_20 = arith.constant 0 : i32
    %dma_start3A_21 = tpu.memref_slice %arg2[%dma_start3A_19, %dma_start3A_20] : memref<1024x256xf32, #tpu.memory_space<hbm>> -> memref<1024x256xf32, #tpu.memory_space<hbm>>
    tpu.enqueue_indirect_dma source(%dma_start3A_21 : memref<1024x256xf32, #tpu.memory_space<hbm>>) target(%dma_start3A_15 : memref<128x256xf32, #tpu.memory_space<vmem>>) offsets(%dma_start3A_18 : memref<128xi32, #tpu.memory_space<vmem>>) semaphore(%arg7 : memref<!tpu.dma_semaphore, #tpu.memory_space<semaphore_mem>>)
    %dma_wait3A = arith.constant 0 : i32
    %dma_wait3A_22 = arith.constant 0 : i32
    %dma_wait3A_23 = arith.constant 0 : i32
    %dma_wait3A_24 = tpu.memref_slice %arg6[%dma_wait3A_22, %dma_wait3A_23] : memref<256x256xf32, #tpu.memory_space<vmem>> -> memref<128x256xf32, #tpu.memory_space<vmem>>
    %dma_wait3A_25 = arith.constant 0 : i32
    %dma_wait3A_26 = tpu.memref_slice %arg5[%dma_wait3A, %dma_wait3A_25] : memref<2x128xi32, #tpu.memory_space<vmem>> -> memref<1x128xi32, #tpu.memory_space<vmem>>
    %dma_wait3A_27 = tpu.memref_squeeze %dma_wait3A_26 : memref<1x128xi32, #tpu.memory_space<vmem>> -> memref<128xi32, #tpu.memory_space<vmem>>
    %dma_wait3A_28 = arith.constant 0 : i32
    %dma_wait3A_29 = arith.constant 0 : i32
    %dma_wait3A_30 = tpu.memref_slice %arg2[%dma_wait3A_28, %dma_wait3A_29] : memref<1024x256xf32, #tpu.memory_space<hbm>> -> memref<1024x256xf32, #tpu.memory_space<hbm>>
    tpu.wait_indirect_dma semaphore(%arg7 : memref<!tpu.dma_semaphore, #tpu.memory_space<semaphore_mem>>) src(%dma_wait3A_30 : memref<1024x256xf32, #tpu.memory_space<hbm>>) dst(%dma_wait3A_24 : memref<128x256xf32, #tpu.memory_space<vmem>>)
    %dma_wait3A_31 = arith.constant 1 : i32
    %dma_wait3A_32 = arith.constant 128 : i32
    %dma_wait3A_33 = arith.constant 0 : i32
    %dma_wait3A_34 = tpu.memref_slice %arg6[%dma_wait3A_32, %dma_wait3A_33] : memref<256x256xf32, #tpu.memory_space<vmem>> -> memref<128x256xf32, #tpu.memory_space<vmem>>
    %dma_wait3A_35 = arith.constant 0 : i32
    %dma_wait3A_36 = tpu.memref_slice %arg5[%dma_wait3A_31, %dma_wait3A_35] : memref<2x128xi32, #tpu.memory_space<vmem>> -> memref<1x128xi32, #tpu.memory_space<vmem>>
    %dma_wait3A_37 = tpu.memref_squeeze %dma_wait3A_36 : memref<1x128xi32, #tpu.memory_space<vmem>> -> memref<128xi32, #tpu.memory_space<vmem>>
    %dma_wait3A_38 = arith.constant 0 : i32
    %dma_wait3A_39 = arith.constant 0 : i32
    %dma_wait3A_40 = tpu.memref_slice %arg2[%dma_wait3A_38, %dma_wait3A_39] : memref<1024x256xf32, #tpu.memory_space<hbm>> -> memref<1024x256xf32, #tpu.memory_space<hbm>>
    tpu.wait_indirect_dma semaphore(%arg7 : memref<!tpu.dma_semaphore, #tpu.memory_space<semaphore_mem>>) src(%dma_wait3A_40 : memref<1024x256xf32, #tpu.memory_space<hbm>>) dst(%dma_wait3A_34 : memref<128x256xf32, #tpu.memory_space<vmem>>)
    %dma_start3A_41 = arith.constant 0 : i32
    %dma_start3A_42 = arith.constant 0 : i32
    %dma_start3A_43 = tpu.memref_slice %arg4[%dma_start3A_41, %mul3A_2, %dma_start3A_42] : memref<2x8192x256xf32, #tpu.memory_space<hbm>> -> memref<1x256x256xf32, #tpu.memory_space<hbm>>
    %dma_start3A_44 = tpu.memref_squeeze %dma_start3A_43 : memref<1x256x256xf32, #tpu.memory_space<hbm>> -> memref<256x256xf32, #tpu.memory_space<hbm>>
    %dma_start3A_45 = arith.constant 0 : i32
    %dma_start3A_46 = tpu.memref_slice %arg4[%dma_start3A_41, %mul3A_2, %dma_start3A_45] : memref<2x8192x256xf32, #tpu.memory_space<hbm>> -> memref<1x256x256xf32, #tpu.memory_space<hbm>>
    %dma_start3A_47 = tpu.memref_squeeze %dma_start3A_46 : memref<1x256x256xf32, #tpu.memory_space<hbm>> -> memref<256x256xf32, #tpu.memory_space<hbm>>
    tpu.enqueue_dma source(%arg6 : memref<256x256xf32, #tpu.memory_space<vmem>>) target(%dma_start3A_47 : memref<256x256xf32, #tpu.memory_space<hbm>>) target_semaphore(%arg8 : memref<!tpu.dma_semaphore, #tpu.memory_space<semaphore_mem>>)
    %dma_start3A_48 = arith.constant 1 : i32
    %dma_start3A_49 = arith.constant 0 : i32
    %dma_start3A_50 = tpu.memref_slice %arg4[%dma_start3A_48, %mul3A_2, %dma_start3A_49] : memref<2x8192x256xf32, #tpu.memory_space<hbm>> -> memref<1x256x256xf32, #tpu.memory_space<hbm>>
    %dma_start3A_51 = tpu.memref_squeeze %dma_start3A_50 : memref<1x256x256xf32, #tpu.memory_space<hbm>> -> memref<256x256xf32, #tpu.memory_space<hbm>>
    %dma_start3A_52 = arith.constant 0 : i32
    %dma_start3A_53 = tpu.memref_slice %arg4[%dma_start3A_48, %mul3A_2, %dma_start3A_52] : memref<2x8192x256xf32, #tpu.memory_space<hbm>> -> memref<1x256x256xf32, #tpu.memory_space<hbm>>
    %dma_start3A_54 = tpu.memref_squeeze %dma_start3A_53 : memref<1x256x256xf32, #tpu.memory_space<hbm>> -> memref<256x256xf32, #tpu.memory_space<hbm>>
    tpu.enqueue_dma source(%arg6 : memref<256x256xf32, #tpu.memory_space<vmem>>) target(%dma_start3A_54 : memref<256x256xf32, #tpu.memory_space<hbm>>) target_semaphore(%arg8 : memref<!tpu.dma_semaphore, #tpu.memory_space<semaphore_mem>>)
    %dma_wait3A_55 = arith.constant 0 : i32
    %dma_wait3A_56 = arith.constant 0 : i32
    %dma_wait3A_57 = tpu.memref_slice %arg4[%dma_wait3A_55, %mul3A_2, %dma_wait3A_56] : memref<2x8192x256xf32, #tpu.memory_space<hbm>> -> memref<1x256x256xf32, #tpu.memory_space<hbm>>
    %dma_wait3A_58 = tpu.memref_squeeze %dma_wait3A_57 : memref<1x256x256xf32, #tpu.memory_space<hbm>> -> memref<256x256xf32, #tpu.memory_space<hbm>>
    %dma_wait3A_59 = arith.constant 0 : i32
    %dma_wait3A_60 = tpu.memref_slice %arg4[%dma_wait3A_55, %mul3A_2, %dma_wait3A_59] : memref<2x8192x256xf32, #tpu.memory_space<hbm>> -> memref<1x256x256xf32, #tpu.memory_space<hbm>>
    %dma_wait3A_61 = tpu.memref_squeeze %dma_wait3A_60 : memref<1x256x256xf32, #tpu.memory_space<hbm>> -> memref<256x256xf32, #tpu.memory_space<hbm>>
    tpu.wait_dma2 semaphore(%arg8 : memref<!tpu.dma_semaphore, #tpu.memory_space<semaphore_mem>>) src(%arg6 : memref<256x256xf32, #tpu.memory_space<vmem>>) dst(%dma_wait3A_61 : memref<256x256xf32, #tpu.memory_space<hbm>>)
    %dma_wait3A_62 = arith.constant 1 : i32
    %dma_wait3A_63 = arith.constant 0 : i32
    %dma_wait3A_64 = tpu.memref_slice %arg4[%dma_wait3A_62, %mul3A_2, %dma_wait3A_63] : memref<2x8192x256xf32, #tpu.memory_space<hbm>> -> memref<1x256x256xf32, #tpu.memory_space<hbm>>
    %dma_wait3A_65 = tpu.memref_squeeze %dma_wait3A_64 : memref<1x256x256xf32, #tpu.memory_space<hbm>> -> memref<256x256xf32, #tpu.memory_space<hbm>>
    %dma_wait3A_66 = arith.constant 0 : i32
    %dma_wait3A_67 = tpu.memref_slice %arg4[%dma_wait3A_62, %mul3A_2, %dma_wait3A_66] : memref<2x8192x256xf32, #tpu.memory_space<hbm>> -> memref<1x256x256xf32, #tpu.memory_space<hbm>>
    %dma_wait3A_68 = tpu.memref_squeeze %dma_wait3A_67 : memref<1x256x256xf32, #tpu.memory_space<hbm>> -> memref<256x256xf32, #tpu.memory_space<hbm>>
    tpu.wait_dma2 semaphore(%arg8 : memref<!tpu.dma_semaphore, #tpu.memory_space<semaphore_mem>>) src(%arg6 : memref<256x256xf32, #tpu.memory_space<vmem>>) dst(%dma_wait3A_68 : memref<256x256xf32, #tpu.memory_space<hbm>>)
    return
  }
}

module attributes {stable_mosaic.version = 14 : i64} {
  func.func @_tc_body(%arg0: i32, %arg1: i32, %arg2: memref<64x256xf32, #tpu.memory_space<vmem>>, %arg3: memref<1x512x256xf32, #tpu.memory_space<vmem>>) attributes {dimension_semantics = [#tpu.dimension_semantics<arbitrary>, #tpu.dimension_semantics<arbitrary>], iteration_bounds = array<i64: 16, 2>, scalar_prefetch = 0 : i64, scratch_operands = 0 : i64, tpu.core_type = #tpu.core_type<tc>, window_params = [{transform_indices = @transform_0, window_bounds = array<i64: 64, 256>}, {transform_indices = @transform_1, window_bounds = array<i64: 1, 512, 256>}]} {
    %get3A = arith.constant 0 : index
    %get3A_0 = arith.constant 0 : index
    %get3A_1 = vector.load %arg2[%get3A, %get3A_0] : memref<64x256xf32, #tpu.memory_space<vmem>>, vector<64x256xf32>
    %broadcast_in_dim3A = vector.shape_cast %get3A_1 : vector<64x256xf32> to vector<64x1x256xf32>
    %broadcast_in_dim3A_2 = vector.shape_cast %broadcast_in_dim3A : vector<64x1x256xf32> to vector<64x1x256xf32>
    %broadcast_in_dim3A_3 = vector.broadcast %broadcast_in_dim3A_2 : vector<64x1x256xf32> to vector<64x8x256xf32>
    %reshape3A = vector.shape_cast %broadcast_in_dim3A_3 : vector<64x8x256xf32> to vector<512x256xf32>
    %swap3A = arith.constant 0 : index
    %swap3A_4 = arith.constant 0 : index
    %swap3A_5 = arith.constant 0 : index
    %swap3A_6 = vector.load %arg3[%swap3A, %swap3A_4, %swap3A_5] : memref<1x512x256xf32, #tpu.memory_space<vmem>>, vector<1x512x256xf32>
    %swap3A_7 = vector.shape_cast %swap3A_6 : vector<1x512x256xf32> to vector<512x256xf32>
    %swap3A_8 = vector.shape_cast %reshape3A : vector<512x256xf32> to vector<1x512x256xf32>
    tpu.vector_store %arg3[%swap3A, %swap3A_4, %swap3A_5], %swap3A_8 {strides = array<i32>} : memref<1x512x256xf32, #tpu.memory_space<vmem>>, vector<1x512x256xf32>,
    return
  }
  func.func @transform_0(%arg0: i32, %arg1: i32) -> (i32, i32) {
    %c0_i32 = arith.constant 0 : i32
    %c0_i32_0 = arith.constant 0 : i32
    return %arg0, %c0_i32 : i32, i32
  }
  func.func @transform_1(%arg0: i32, %arg1: i32) -> (i32, i32, i32) {
    %c0_i32 = arith.constant 0 : i32
    %c0_i32_0 = arith.constant 0 : i32
    return %arg1, %arg0, %c0_i32 : i32, i32, i32
  }
}

</mosaic_0001>

<sc_bundles>
// kernel: kernel.4.cloned.1.call-start
scs
__scs_entry_jumppad:
0x0: {  	(pc) =	sbr.rel $0x88, $3  }
0x1: {  	(tag) =	ssettag $0x0;
	lr =	simm.s32 $0x1  }
0x2: {  	[smem:$0x3FA0] =	sst lr;
	_ =	strace $0xD0000000  }
0x3: {  	_ = 	snop  }
0x4: {  	_ = 	snop  }
0x5: {  	_ = 	snop  }
0x6: {  	_ = 	snop  }
0x7: {  	_ = 	snop  }
__scs_overlays_trampoline_lowered:
0x8: {  	[smem:$0x3FAF] =	sst s0  }
0x9: {  	[smem:$0x3FB0] =	sst s1  }
0xa: {  	[smem:$0x3FB1] =	sst s2  }
0xb: {  	[smem:$0x3FB2] =	sst s3  }
0xc: {  	[smem:$0x3FB3] =	sst s4  }
0xd: {  	[smem:$0x3FB4] =	sst s5  }
0xe: {  	[smem:$0x3FB5] =	sst s6  }
0xf: {  	[smem:$0x3FB6] =	sst s7  }
0x10: {  	[smem:$0x3FB7] =	sst s8  }
0x11: {  	[smem:$0x3FB8] =	sst s9;
	s0 =	simm.s32 @!p0 $0x0  }
0x12: {  	s1 =	sld [smem:$0x3F9E];
	s0 =	simm.s32 @p0 $0x1  }
0x13: {  	[smem:$0x3FB9] =	sst s0;
	s0 =	simm.s32 @!p1 $0x0  }
0x14: {  	s2 =	sld [smem:$0x3F9D];
	s0 =	simm.s32 @p1 $0x1  }
0x15: {  	[smem:$0x3FBA] =	sst s0;
	s0 =	simm.s32 @!p2 $0x0  }
0x16: {  	s3 =	sld [smem:$0x3FDB];
	s0 =	simm.s32 @p2 $0x1  }
0x17: {  	s4 =	simm.s32 $0x1BF5;
	[smem:$0x3FBC] =	sst s0  }
0x18: {  	s0 =	sld [smem:$0x3F9F];
	_ =	swait.ge [sflag:s4], $0x0  }
0x19: {  	s7 =	sld [smem:$0x3FA0]  }
0x1a: {  	s8 =	sadd.s32 $0xFFFFE003, lr  }
0x1b: {  	s9 =	sadd.s32 $0xFFFFFEF7, lr;
	s5 =	simm.s32 $0xFFFFFFFF;
	p2 =	slt.u32 s8, $0xFFFFF086  }
0x1c: {  	p1 =	slt.u32 s9, $0xF7A;
	s5 =	simm.s32 @!p2 $0x0  }
0x1d: {  	s5 =	simm.s32 @p1 $0x1;
	p0 =	seq.s32 s7, s2  }
0x1e: {  	s7 =	smul.u32 @!p0 $0xF7A, s2;
	p2 =	seq.s32 @!p0 s5, $0x0  }
0x1f: {  	s9 =	smul.u32 $0xF7A, s1;
	s8 =	simm.s32 @!p0 $0x1BF5;
	p2 =	por !p2, p0  }
0x20: {  	[sflag:s8] =	ssyncset.s32 @!p0 $0xFFFFF086;
	s6 =	sadd.s32 @!p0 s3, s7;
	s7 =	simm.s32 @!p0 $0x108  }
0x21: {  	s3 =	sadd.s32 s3, s9;
	s6 =	sadd.s32 @!p0 $0x88, s6;
	s7 =	simm.s32 @p2 $0x1082  }
0x22: {  	[simem:s7], [sflag:s8] =	dma.local @!p0 [hbm:s6], $0xF7A  }
0x23: {  	s9 =	sor.u32 $0xD0000000, s2;
	s6 =	simm.s32 $0x108;
	_ =	swait.ge @!p0 [sflag:s8], $0x0  }
0x24: {  	s3 =	sadd.s32 $0x88, s3;
	s6 =	simm.s32 @!p1 $0x1082;
	[sflag:s4] =	ssyncset.s32 $0xFFFFF086  }
0x25: {  	[simem:s6], [sflag:s4] =	dma.local [hbm:s3], $0xF7A  }
0x26: {  	[smem:$0x3FA0] =	sst s1;
	(tag) =	ssettag s2;
	_ =	strace s9  }
0x27: {  	s1 =	sld [smem:$0x3FB0]  }
0x28: {  	s2 =	sld [smem:$0x3FB1]  }
0x29: {  	s4 =	sld [smem:$0x3FB3]  }
0x2a: {  	p0 =	seq.s32 s5, $0x0;
	s5 =	sld [smem:$0x3FB4]  }
0x2b: {  	s6 =	sld [smem:$0x3FB5]  }
0x2c: {  	s7 =	sld [smem:$0x3FB6]  }
0x2d: {  	s3 =	simm.s32 $0x108;
	s8 =	sld [smem:$0x3FB7]  }
0x2e: {  	s3 =	simm.s32 @!p0 $0x1082;
	s9 =	sld [smem:$0x3FB8]  }
0x2f: {  	lr =	sadd.s32 s0, s3;
	s0 =	sld [smem:$0x3FAF]  }
0x30: {  	s3 =	sld [smem:$0x3FB2]  }
0x31: {  	[smem:$0x3FBB] =	sst s10  }
0x32: {  	s10 =	sld [smem:$0x3FB9];
	_ =	sdelay $0x3  }
0x33: {  	p0 =	seq.s32 s10, $0x1;
	s10 =	sld [smem:$0x3FBB];
	_ =	sdelay $0x3  }
0x34: {  	[smem:$0x3FBB] =	sst s10  }
0x35: {  	s10 =	sld [smem:$0x3FBA];
	_ =	sdelay $0x3  }
0x36: {  	p1 =	seq.s32 s10, $0x1;
	s10 =	sld [smem:$0x3FBB];
	_ =	sdelay $0x3  }
0x37: {  	[smem:$0x3FBB] =	sst s10  }
0x38: {  	s10 =	sld [smem:$0x3FBC]  }
0x39: {  	_ = 	snop;
	(pc) =	sbr.ind lr, $3  }
0x3a: {  	_ = 	snop  }
0x3b: {  	_ = 	snop  }
0x3c: {  	p2 =	seq.s32 s10, $0x1;
	s10 =	sld [smem:$0x3FBB]  }
0x3d: {  	_ =	shalt  }
0x3e: {  	_ =	shalt  }
0x3f: {  	_ =	shalt  }
0x40: {  	_ =	shalt  }
0x41: {  	_ =	shalt  }
0x42: {  	_ =	shalt  }
0x43: {  	_ =	shalt  }
0x44: {  	_ =	shalt  }
0x45: {  	_ =	shalt  }
0x46: {  	_ =	shalt  }
0x47: {  	_ =	shalt  }
0x48: {  	_ =	shalt  }
0x49: {  	_ =	shalt  }
0x4a: {  	_ =	shalt  }
0x4b: {  	_ =	shalt  }
0x4c: {  	_ =	shalt  }
0x4d: {  	_ =	shalt  }
0x4e: {  	_ =	shalt  }
0x4f: {  	_ =	shalt  }
0x50: {  	_ =	shalt  }
0x51: {  	_ =	shalt  }
0x52: {  	_ =	shalt  }
0x53: {  	_ =	shalt  }
0x54: {  	_ =	shalt  }
0x55: {  	_ =	shalt  }
0x56: {  	_ =	shalt  }
0x57: {  	_ =	shalt  }
0x58: {  	_ =	shalt  }
0x59: {  	_ =	shalt  }
0x5a: {  	_ =	shalt  }
0x5b: {  	_ =	shalt  }
0x5c: {  	_ =	shalt  }
0x5d: {  	_ =	shalt  }
0x5e: {  	_ =	shalt  }
0x5f: {  	_ =	shalt  }
0x60: {  	_ =	shalt  }
0x61: {  	_ =	shalt  }
0x62: {  	_ =	shalt  }
0x63: {  	_ =	shalt  }
0x64: {  	_ =	shalt  }
0x65: {  	_ =	shalt  }
0x66: {  	_ =	shalt  }
0x67: {  	_ =	shalt  }
0x68: {  	_ =	shalt  }
0x69: {  	_ =	shalt  }
0x6a: {  	_ =	shalt  }
0x6b: {  	_ =	shalt  }
0x6c: {  	_ =	shalt  }
0x6d: {  	_ =	shalt  }
0x6e: {  	_ =	shalt  }
0x6f: {  	_ =	shalt  }
0x70: {  	_ =	shalt  }
0x71: {  	_ =	shalt  }
0x72: {  	_ =	shalt  }
0x73: {  	_ =	shalt  }
0x74: {  	_ =	shalt  }
0x75: {  	_ =	shalt  }
0x76: {  	_ =	shalt  }
0x77: {  	_ =	shalt  }
0x78: {  	_ =	shalt  }
0x79: {  	_ =	shalt  }
0x7a: {  	_ =	shalt  }
0x7b: {  	_ =	shalt  }
0x7c: {  	_ =	shalt  }
0x7d: {  	_ =	shalt  }
0x7e: {  	_ =	shalt  }
0x7f: {  	_ =	shalt  }
0x80: {  	_ =	shalt  }
0x81: {  	_ =	shalt  }
0x82: {  	_ =	shalt  }
0x83: {  	_ =	shalt  }
0x84: {  	_ =	shalt  }
0x85: {  	_ =	shalt  }
0x86: {  	_ =	shalt  }
0x87: {  	_ =	shalt  }
.Lfunc_end0:
.L_simem_size_0:
called_computation_lowered:
.L_overlay_start_0:
0x88: {  	s2 =	sld [smem:$0x3FD9]  }
0x89: {  	s3 =	sld [smem:$0x3FFE];
	_ =	sdelay $0x1  }
0x8a: {  	s1 =	srdreg.scid  }
0x8b: {  	s0 =	sand.u32 $0x1, s1  }
0x8c: {  	s17 =	sshll.u32 s0, $0xA;
	s2 =	sadd.s32 s3, s2  }
0x8d: {  	s2 =	sadd.s32 s2, s17  }
0x8e: {  	[smem:$0x3FC7] =	sst s2  }
0x8f: {  	_ = 	snop  }
0x90: {  	s2 =	sld [smem:$0x3FC9]  }
0x91: {  	s18 =	sld [smem:$0x3FD0];
	(tm) =	ssettm $0x1  }
0x92: {  	s4 =	sld [smem:$0x3FFB];
	_ =	sdelay $0x3  }
0x93: {  	_ =	strace s4  }
0x94: {  	s4 =	sld [smem:$0x3FFC];
	_ =	sdelay $0x3  }
0x95: {  	_ =	strace s4  }
0x96: {  	s4 =	sld [smem:$0x3FFD];
	_ =	sdelay $0x3  }
0x97: {  	_ =	strace s4  }
0x98: {  	_ =	strace $0x8FFFFFFF  }
0x99: {  	s19 =	sld [smem:$0x3FDB];
	_ =	sdelay $0x1  }
0x9a: {  	s5 =	simm.s32 $_scs_section_size  }
0x9b: {  	s6 =	simm.s32 $_size__tile_overlayer_lowered;
	s7 =	simm.s32 $_tile_overlayer_lowered  }
0x9c: {  	s22 =	simm.s32 $0x1BFF;
	s21 =	sshll.u32 s7, $0x1;
	s4 =	sadd.s32 s5, s19  }
0x9d: {  	s8 =	simm.s32 $0x0;
	s20 =	sshll.u32 s6, $0x1;
	s6 =	sadd.s32 s21, s4  }
0x9e: {  	[timem:s8], [sflag:s22] =	dma.local [hbm:s6], s20  }
0x9f: {  	_ =	swait.ge [sflag:s22], s20  }
0xa0: {  	s5 =	ssub.s32 $0x0, s20;
	[sflag:s22] =	ssyncset.done $0x0  }
0xa1: {  	[sflag:s22] =	ssyncadd.s32 s5;
	_ =	sdelay $0x1  }
0xa2: {  	s23 =	simm.s32 $0x1B8B  }
0xa3: {  	_ =	swait.ge [sflag:s23], $0x1  }
0xa4: {  	[sflag:s23] =	ssyncset.done $0x0  }
0xa5: {  	s25 =	simm.s32 $0x1B8E;
	s24 =	sld [smem:$0x3FFE];
	[sflag:s23] =	ssyncadd.s32 $0xFFFFFFFF  }
0xa6: {  	s26 =	simm.s32 $execute0_lowered;
	[smem:$0x3FD2] =	sst s25  }
0xa7: {  	s6 =	sshll.u32 s26, $0x1;
	_ =	strace $0x80000046;
	[dreg:$0x1] =	wrdreg $0xFFFFFFFF  }
0xa8: {  	s28 =	simm.s32 $_size_execute0_lowered;
	s4 =	sadd.s32 s4, s6;
	[dreg:$0x0] =	wrdreg $0x0  }
0xa9: {  	s6 =	sshll.u32 s28, $0x1;
	[dreg:$0x2] =	wrdreg s4  }
0xaa: {  	[dreg:$0x3] =	wrdreg s6  }
0xab: {  	[dreg:$0x4] =	wrdreg $0xC0  }
0xac: {  	_ =	task [dreg:s8], $0x5FFFF  }
0xad: {  	[dreg:$0x1] =	wrdreg $0xFFFFFFFF  }
0xae: {  	[dreg:$0x0] =	wrdreg $0x60  }
0xaf: {  	[dreg:$0x2] =	wrdreg s2  }
0xb0: {  	[dreg:$0x3] =	wrdreg s18  }
0xb1: {  	[dreg:$0x4] =	wrdreg s24  }
0xb2: {  	[dreg:$0x5] =	wrdreg $0x9  }
0xb3: {  	_ =	task.clear_ibuf [dreg:s8], $0x6FFFF;
	_ =	strace $0x90000046  }
0xb4: {  	s29 =	simm.s32 $0x9;
	_ =	strace $0x80000048  }
0xb5: {  	_ =	swait.ge [sflag:s29], $0x1  }
0xb6: {  	[sflag:s29] =	ssyncadd.s32 $0xFFFFFFFF  }
0xb7: {  	_ =	strace $0x90000048  }
0xb8: {  	_ =	sfence  }
0xb9: {  	s30 =	sld [smem:$0x0];
	_ =	sdelay $0x2  }
0xba: {  	s31 =	sshll.u32 s1, $0xD;
	s1 =	sshrl.u32 s1, $0x2  }
0xbb: {  	s3 =	sand.u32 $0x4000, s31;
	s1 =	sadd.s32 s1, s30  }
0xbc: {  	s0 =	sor.u32 s3, s0;
	s1 =	sshll.u32 s1, $0x11  }
0xbd: {  	s0 =	sor.u32 s1, s0  }
0xbe: {  	s0 =	sadd.s32 $0x8F2B, s0  }
0xbf: {  	[sflag:s0] =	ssyncadd.remote.s32 $0x1  }
0xc0: {  	_ =	sfence.sel $0xFFFF  }
0xc1: {  	[dreg:$0x0] =	wrdreg $0xFFFFFFFF;
	(pc) =	sbr.abs _section_cstart, $3  }
0xc2: {  	[dreg:$0x1] =	wrdreg $0xFFFFFFFF  }
0xc3: {  	_ =	task.clear_ibuf [dreg:s8], $0x2FFFF;
	_ =	strace $0x9FFFFFFF  }
0xc4: {  	(tm) =	ssettm $0x7FFFFFFF  }
0xc5: {  	_ =	shalt  }
tec
execute0_lowered:
.L_overlay_start_1:
0x0: {  	(tag) =	ssettag $0x1  }
0x1: {  	s1 =	rddreg [dreg:$0x0];
	s2 =	srdreg.scid  }
0x2: {  	s4 =	rddreg [dreg:$0x1];
	s0 =	stileid.u32  }
0x3: {  	s5 =	rddreg [dreg:$0x2];
	s3 =	simm.s32 $0x0;
	s18 =	simm.s32 $0x900  }
0x4: {  	s19 =	simm.s32 $0x1100;
	s20 =	simm.s32 $0x1900;
	s21 =	simm.s32 $0x2100  }
0x5: {  	s23 =	simm.s32 $0x2900;
	s24 =	simm.s32 $0x3100;
	s25 =	simm.s32 $0x3900  }
0x6: {  	s26 =	simm.s32 $0x4100;
	s8 =	simm.s32 $0x5100;
	[smem:$0x7FF] =	sst s3  }
0x7: {  	s9 =	simm.s32 $0x5900;
	_ =	strace $0x80000047;
	[dreg:$0x7] =	wrdreg s18  }
0x8: {  	s10 =	simm.s32 $0x6100;
	s11 =	simm.s32 $0x6900;
	[dreg:$0x8] =	wrdreg s19  }
0x9: {  	s12 =	simm.s32 $0x7100;
	s13 =	simm.s32 $0x7900;
	[dreg:$0x9] =	wrdreg s20  }
0xa: {  	s14 =	simm.s32 $0x8100;
	s15 =	simm.s32 $0x8900;
	[dreg:$0xa] =	wrdreg s21  }
0xb: {  	s28 =	simm.s32 $0xE900;
	s29 =	simm.s32 $0xF100;
	[dreg:$0xb] =	wrdreg s23  }
0xc: {  	s30 =	simm.s32 $0xF900;
	s31 =	simm.s32 $0x1;
	[dreg:$0xc] =	wrdreg s24  }
0xd: {  	s2 =	sand.u32 $0x1, s2;
	s6 =	sshll.u32 s0, $0x9;
	[dreg:$0xd] =	wrdreg s25  }
0xe: {  	s7 =	sshll.u32 s2, $0x8;
	s2 =	ssub.s32 $0x2, s2;
	[dreg:$0xe] =	wrdreg s26  }
0xf: {  	s18 =	simm.s32 $0xA100;
	s19 =	simm.s32 $0xA900;
	s20 =	simm.s32 $0xB100  }
0x10: {  	s21 =	simm.s32 $0xB900;
	s23 =	simm.s32 $0xC900;
	s24 =	simm.s32 $0xD100  }
0x11: {  	s25 =	simm.s32 $0xD900;
	s26 =	simm.s32 $0xE100;
	s6 =	sor.u32 s7, s6  }
0x12: {  	s22 =	sshrl.u32 s2, $0x1;
	s7 =	sshll.u32 s6, $0x5;
	s6 =	sshrl.u32 s6, $0x3  }
0x13: {  	s2 =	ssub.s32 s2, s22;
	s22 =	simm.s32 $0xC100;
	s4 =	sadd.s32 s4, s6  }
0x14: {  	s5 =	sadd.s32 s7, s5;
	s6 =	simm.s32 $0x100;
	[dreg:$0x4] =	wrdreg s4  }
0x15: {  	v2 =	vlaneseq.u32;
	s16 =	sadd.s32 $0x600, s5;
	s17 =	sadd.s32 $0x40600, s5;
	s4 =	smax.u32 s2, $0x1  }
0x16: {  	vm0 =	vmmov $0xffff;
	v1 =	vshrl.u32 v2, $0x3;
	s5 =	simm.s32 $0x3;
	s2 =	simm.s32 $0x2;
	[dreg:$0x5] =	wrdreg s16  }
0x17: {  	v0 =	vand.u32 $0x7, v2;
	v2 =	vor.u32 $0x8, v2;
	v1 =	vmul.u32 $0x8, v1;
	[dreg:$0x6] =	wrdreg s17;
	s16 =	simm.s32 $0x9100;
	s17 =	simm.s32 $0x9900  }
.LBB2_1:
0x18: {  	s0 =	rddreg [dreg:$0x4]  }
0x19: {  	[tilespmem:s3], [sflag:$0x3] =	stream.linear.gather [hbm4b:s0+s3], $0x100, $0x38;
	[tilespmem:$0x10100] =	vst v63  }
0x1a: {  	_ =	swait.ge [sflag:s5], $0x100  }
0x1b: {  	[sflag:s5] =	ssyncset.done $0x0  }
0x1c: {  	[sflag:s5] =	ssyncadd.s32 $0xFFFFFF00  }
0x1d: {  	v3 =	vld [tilespmem:$0x0];
	_ =	sdelay $0x4  }
0x1e: {  	v4 =	vshll.u32 v3, $0x1  }
0x1f: {  	v3 =	vand.u32 $0x7, v3;
	v4 =	vand.u32 $0xFFFFFFF0, v4  }
0x20: {  	v3 =	vor.u32 v3, v4  }
0x21: {  	v4 =	vperm.xlane v3, v0;
	_ =	sdelay $0x1  }
0x22: {  	v3 =	vperm.xlane v3, v2;
	v4 =	vadd.s32 v1, v4;
	_ =	sdelay $0x1  }
0x23: {  	v3 =	vadd.s32 v1, v3;
	_ =	sdelay $0x2  }
0x24: {  	[tilespmem:s6], [sflag:$0x1] =	stream.indirect_vreg.gather [hbm4b:s1+s3], $0x80, v4, vm0, $0xb8;
	[tilespmem:$0x10100] =	vst v63  }
0x25: {  	s7 =	rddreg [dreg:$0x7]  }
0x26: {  	[tilespmem:s7], [sflag:$0x1] =	stream.indirect_vreg.gather [hbm4b:s1+s3], $0x80, v3, vm0, $0xb8;
	[tilespmem:$0x10100] =	vst v63  }
0x27: {  	v3 =	vld [tilespmem:$0x10];
	_ =	sdelay $0x4  }
0x28: {  	v49 =	vshll.u32 v3, $0x1  }
0x29: {  	v3 =	vand.u32 $0x7, v3;
	v4 =	vand.u32 $0xFFFFFFF0, v49  }
0x2a: {  	v3 =	vor.u32 v3, v4  }
0x2b: {  	v4 =	vperm.xlane v3, v0;
	_ =	sdelay $0x1  }
0x2c: {  	v3 =	vperm.xlane v3, v2;
	v4 =	vadd.s32 v1, v4;
	_ =	sdelay $0x1  }
0x2d: {  	v3 =	vadd.s32 v1, v3;
	_ =	sdelay $0x1  }
0x2e: {  	s0 =	rddreg [dreg:$0x8]  }
0x2f: {  	[tilespmem:s0], [sflag:$0x1] =	stream.indirect_vreg.gather [hbm4b:s1+s3], $0x80, v4, vm0, $0xb8;
	[tilespmem:$0x10100] =	vst v63  }
0x30: {  	s7 =	rddreg [dreg:$0x9]  }
0x31: {  	[tilespmem:s7], [sflag:$0x1] =	stream.indirect_vreg.gather [hbm4b:s1+s3], $0x80, v3, vm0, $0xb8;
	[tilespmem:$0x10100] =	vst v63  }
0x32: {  	v3 =	vld [tilespmem:$0x20];
	_ =	sdelay $0x4  }
0x33: {  	v50 =	vshll.u32 v3, $0x1  }
0x34: {  	v3 =	vand.u32 $0x7, v3;
	v4 =	vand.u32 $0xFFFFFFF0, v50  }
0x35: {  	v3 =	vor.u32 v3, v4  }
0x36: {  	v4 =	vperm.xlane v3, v0;
	_ =	sdelay $0x1  }
0x37: {  	v3 =	vperm.xlane v3, v2;
	v4 =	vadd.s32 v1, v4;
	_ =	sdelay $0x1  }
0x38: {  	v3 =	vadd.s32 v1, v3;
	_ =	sdelay $0x1  }
0x39: {  	s0 =	rddreg [dreg:$0xa]  }
0x3a: {  	[tilespmem:s0], [sflag:$0x1] =	stream.indirect_vreg.gather [hbm4b:s1+s3], $0x80, v4, vm0, $0xb8;
	[tilespmem:$0x10100] =	vst v63  }
0x3b: {  	s7 =	rddreg [dreg:$0xb]  }
0x3c: {  	[tilespmem:s7], [sflag:$0x1] =	stream.indirect_vreg.gather [hbm4b:s1+s3], $0x80, v3, vm0, $0xb8;
	[tilespmem:$0x10100] =	vst v63  }
0x3d: {  	v3 =	vld [tilespmem:$0x30];
	_ =	sdelay $0x4  }
0x3e: {  	v51 =	vshll.u32 v3, $0x1  }
0x3f: {  	v3 =	vand.u32 $0x7, v3;
	v4 =	vand.u32 $0xFFFFFFF0, v51  }
0x40: {  	v3 =	vor.u32 v3, v4  }
0x41: {  	v4 =	vperm.xlane v3, v0;
	_ =	sdelay $0x1  }
0x42: {  	v3 =	vperm.xlane v3, v2;
	v4 =	vadd.s32 v1, v4;
	_ =	sdelay $0x1  }
0x43: {  	v3 =	vadd.s32 v1, v3;
	_ =	sdelay $0x1  }
0x44: {  	s0 =	rddreg [dreg:$0xc]  }
0x45: {  	[tilespmem:s0], [sflag:$0x1] =	stream.indirect_vreg.gather [hbm4b:s1+s3], $0x80, v4, vm0, $0xb8;
	[tilespmem:$0x10100] =	vst v63  }
0x46: {  	s7 =	rddreg [dreg:$0xd]  }
0x47: {  	[tilespmem:s7], [sflag:$0x1] =	stream.indirect_vreg.gather [hbm4b:s1+s3], $0x80, v3, vm0, $0xb8;
	[tilespmem:$0x10100] =	vst v63  }
0x48: {  	v3 =	vld [tilespmem:$0x40];
	_ =	sdelay $0x4  }
0x49: {  	v52 =	vshll.u32 v3, $0x1  }
0x4a: {  	v3 =	vand.u32 $0x7, v3;
	v4 =	vand.u32 $0xFFFFFFF0, v52  }
0x4b: {  	v3 =	vor.u32 v3, v4  }
0x4c: {  	v4 =	vperm.xlane v3, v0;
	_ =	sdelay $0x1  }
0x4d: {  	v3 =	vperm.xlane v3, v2;
	v4 =	vadd.s32 v1, v4;
	_ =	sdelay $0x1  }
0x4e: {  	v3 =	vadd.s32 v1, v3;
	_ =	sdelay $0x1  }
0x4f: {  	s7 =	rddreg [dreg:$0xe]  }
0x50: {  	[tilespmem:s7], [sflag:$0x1] =	stream.indirect_vreg.gather [hbm4b:s1+s3], $0x80, v4, vm0, $0xb8;
	[tilespmem:$0x10100] =	vst v63  }
0x51: {  	s7 =	simm.s32 $0x4900  }
0x52: {  	[tilespmem:s7], [sflag:$0x1] =	stream.indirect_vreg.gather [hbm4b:s1+s3], $0x80, v3, vm0, $0xb8;
	[tilespmem:$0x10100] =	vst v63  }
0x53: {  	v3 =	vld [tilespmem:$0x50];
	_ =	sdelay $0x4  }
0x54: {  	v53 =	vshll.u32 v3, $0x1  }
0x55: {  	v3 =	vand.u32 $0x7, v3;
	v4 =	vand.u32 $0xFFFFFFF0, v53  }
0x56: {  	v3 =	vor.u32 v3, v4  }
0x57: {  	v4 =	vperm.xlane v3, v0;
	_ =	sdelay $0x1  }
0x58: {  	v3 =	vperm.xlane v3, v2;
	v4 =	vadd.s32 v1, v4;
	_ =	sdelay $0x1  }
0x59: {  	v3 =	vadd.s32 v1, v3;
	_ =	sdelay $0x2  }
0x5a: {  	[tilespmem:s8], [sflag:$0x1] =	stream.indirect_vreg.gather [hbm4b:s1+s3], $0x80, v4, vm0, $0xb8;
	[tilespmem:$0x10100] =	vst v63  }
0x5b: {  	_ = 	snop  }
0x5c: {  	[tilespmem:s9], [sflag:$0x1] =	stream.indirect_vreg.gather [hbm4b:s1+s3], $0x80, v3, vm0, $0xb8;
	[tilespmem:$0x10100] =	vst v63  }
0x5d: {  	v3 =	vld [tilespmem:$0x60];
	_ =	sdelay $0x4  }
0x5e: {  	v54 =	vshll.u32 v3, $0x1  }
0x5f: {  	v3 =	vand.u32 $0x7, v3;
	v4 =	vand.u32 $0xFFFFFFF0, v54  }
0x60: {  	v3 =	vor.u32 v3, v4  }
0x61: {  	v4 =	vperm.xlane v3, v0;
	_ =	sdelay $0x1  }
0x62: {  	v3 =	vperm.xlane v3, v2;
	v4 =	vadd.s32 v1, v4;
	_ =	sdelay $0x1  }
0x63: {  	v3 =	vadd.s32 v1, v3;
	_ =	sdelay $0x2  }
0x64: {  	[tilespmem:s10], [sflag:$0x1] =	stream.indirect_vreg.gather [hbm4b:s1+s3], $0x80, v4, vm0, $0xb8;
	[tilespmem:$0x10100] =	vst v63  }
0x65: {  	_ = 	snop  }
0x66: {  	[tilespmem:s11], [sflag:$0x1] =	stream.indirect_vreg.gather [hbm4b:s1+s3], $0x80, v3, vm0, $0xb8;
	[tilespmem:$0x10100] =	vst v63  }
0x67: {  	v3 =	vld [tilespmem:$0x70];
	_ =	sdelay $0x4  }
0x68: {  	v55 =	vshll.u32 v3, $0x1  }
0x69: {  	v3 =	vand.u32 $0x7, v3;
	v4 =	vand.u32 $0xFFFFFFF0, v55  }
0x6a: {  	v3 =	vor.u32 v3, v4  }
0x6b: {  	v4 =	vperm.xlane v3, v0;
	_ =	sdelay $0x1  }
0x6c: {  	v3 =	vperm.xlane v3, v2;
	v4 =	vadd.s32 v1, v4;
	_ =	sdelay $0x1  }
0x6d: {  	v3 =	vadd.s32 v1, v3;
	_ =	sdelay $0x2  }
0x6e: {  	[tilespmem:s12], [sflag:$0x1] =	stream.indirect_vreg.gather [hbm4b:s1+s3], $0x80, v4, vm0, $0xb8;
	[tilespmem:$0x10100] =	vst v63  }
0x6f: {  	_ = 	snop  }
0x70: {  	[tilespmem:s13], [sflag:$0x1] =	stream.indirect_vreg.gather [hbm4b:s1+s3], $0x80, v3, vm0, $0xb8;
	[tilespmem:$0x10100] =	vst v63  }
0x71: {  	v3 =	vld [tilespmem:$0x80];
	_ =	sdelay $0x4  }
0x72: {  	v56 =	vshll.u32 v3, $0x1  }
0x73: {  	v3 =	vand.u32 $0x7, v3;
	v4 =	vand.u32 $0xFFFFFFF0, v56  }
0x74: {  	v3 =	vor.u32 v3, v4  }
0x75: {  	v4 =	vperm.xlane v3, v0;
	_ =	sdelay $0x1  }
0x76: {  	v3 =	vperm.xlane v3, v2;
	v4 =	vadd.s32 v1, v4;
	_ =	sdelay $0x1  }
0x77: {  	v3 =	vadd.s32 v1, v3;
	_ =	sdelay $0x2  }
0x78: {  	[tilespmem:s14], [sflag:$0x1] =	stream.indirect_vreg.gather [hbm4b:s1+s3], $0x80, v4, vm0, $0xb8;
	[tilespmem:$0x10100] =	vst v63  }
0x79: {  	_ = 	snop  }
0x7a: {  	[tilespmem:s15], [sflag:$0x1] =	stream.indirect_vreg.gather [hbm4b:s1+s3], $0x80, v3, vm0, $0xb8;
	[tilespmem:$0x10100] =	vst v63  }
0x7b: {  	v3 =	vld [tilespmem:$0x90];
	_ =	sdelay $0x4  }
0x7c: {  	v57 =	vshll.u32 v3, $0x1  }
0x7d: {  	v3 =	vand.u32 $0x7, v3;
	v4 =	vand.u32 $0xFFFFFFF0, v57  }
0x7e: {  	v3 =	vor.u32 v3, v4  }
0x7f: {  	v4 =	vperm.xlane v3, v0;
	_ =	sdelay $0x1  }
0x80: {  	v3 =	vperm.xlane v3, v2;
	v4 =	vadd.s32 v1, v4;
	_ =	sdelay $0x1  }
0x81: {  	v3 =	vadd.s32 v1, v3;
	_ =	sdelay $0x2  }
0x82: {  	[tilespmem:s16], [sflag:$0x1] =	stream.indirect_vreg.gather [hbm4b:s1+s3], $0x80, v4, vm0, $0xb8;
	[tilespmem:$0x10100] =	vst v63  }
0x83: {  	_ = 	snop  }
0x84: {  	[tilespmem:s17], [sflag:$0x1] =	stream.indirect_vreg.gather [hbm4b:s1+s3], $0x80, v3, vm0, $0xb8;
	[tilespmem:$0x10100] =	vst v63  }
0x85: {  	v3 =	vld [tilespmem:$0xA0];
	_ =	sdelay $0x4  }
0x86: {  	v58 =	vshll.u32 v3, $0x1  }
0x87: {  	v3 =	vand.u32 $0x7, v3;
	v4 =	vand.u32 $0xFFFFFFF0, v58  }
0x88: {  	v3 =	vor.u32 v3, v4  }
0x89: {  	v4 =	vperm.xlane v3, v0;
	_ =	sdelay $0x1  }
0x8a: {  	v3 =	vperm.xlane v3, v2;
	v4 =	vadd.s32 v1, v4;
	_ =	sdelay $0x1  }
0x8b: {  	v3 =	vadd.s32 v1, v3;
	_ =	sdelay $0x2  }
0x8c: {  	[tilespmem:s18], [sflag:$0x1] =	stream.indirect_vreg.gather [hbm4b:s1+s3], $0x80, v4, vm0, $0xb8;
	[tilespmem:$0x10100] =	vst v63  }
0x8d: {  	_ = 	snop  }
0x8e: {  	[tilespmem:s19], [sflag:$0x1] =	stream.indirect_vreg.gather [hbm4b:s1+s3], $0x80, v3, vm0, $0xb8;
	[tilespmem:$0x10100] =	vst v63  }
0x8f: {  	v3 =	vld [tilespmem:$0xB0];
	_ =	sdelay $0x4  }
0x90: {  	v59 =	vshll.u32 v3, $0x1  }
0x91: {  	v3 =	vand.u32 $0x7, v3;
	v4 =	vand.u32 $0xFFFFFFF0, v59  }
0x92: {  	v3 =	vor.u32 v3, v4  }
0x93: {  	v4 =	vperm.xlane v3, v0;
	_ =	sdelay $0x1  }
0x94: {  	v3 =	vperm.xlane v3, v2;
	v4 =	vadd.s32 v1, v4;
	_ =	sdelay $0x1  }
0x95: {  	v3 =	vadd.s32 v1, v3;
	_ =	sdelay $0x2  }
0x96: {  	[tilespmem:s20], [sflag:$0x1] =	stream.indirect_vreg.gather [hbm4b:s1+s3], $0x80, v4, vm0, $0xb8;
	[tilespmem:$0x10100] =	vst v63  }
0x97: {  	_ = 	snop  }
0x98: {  	[tilespmem:s21], [sflag:$0x1] =	stream.indirect_vreg.gather [hbm4b:s1+s3], $0x80, v3, vm0, $0xb8;
	[tilespmem:$0x10100] =	vst v63  }
0x99: {  	v3 =	vld [tilespmem:$0xC0];
	_ =	sdelay $0x4  }
0x9a: {  	v60 =	vshll.u32 v3, $0x1  }
0x9b: {  	v3 =	vand.u32 $0x7, v3;
	v4 =	vand.u32 $0xFFFFFFF0, v60  }
0x9c: {  	v3 =	vor.u32 v3, v4  }
0x9d: {  	v4 =	vperm.xlane v3, v0;
	_ =	sdelay $0x1  }
0x9e: {  	v3 =	vperm.xlane v3, v2;
	v4 =	vadd.s32 v1, v4;
	_ =	sdelay $0x1  }
0x9f: {  	v3 =	vadd.s32 v1, v3;
	_ =	sdelay $0x2  }
0xa0: {  	[tilespmem:s22], [sflag:$0x1] =	stream.indirect_vreg.gather [hbm4b:s1+s3], $0x80, v4, vm0, $0xb8;
	[tilespmem:$0x10100] =	vst v63  }
0xa1: {  	_ = 	snop  }
0xa2: {  	[tilespmem:s23], [sflag:$0x1] =	stream.indirect_vreg.gather [hbm4b:s1+s3], $0x80, v3, vm0, $0xb8;
	[tilespmem:$0x10100] =	vst v63  }
0xa3: {  	v3 =	vld [tilespmem:$0xD0];
	_ =	sdelay $0x4  }
0xa4: {  	v61 =	vshll.u32 v3, $0x1  }
0xa5: {  	v3 =	vand.u32 $0x7, v3;
	v4 =	vand.u32 $0xFFFFFFF0, v61  }
0xa6: {  	v3 =	vor.u32 v3, v4  }
0xa7: {  	v4 =	vperm.xlane v3, v0;
	_ =	sdelay $0x1  }
0xa8: {  	v3 =	vperm.xlane v3, v2;
	v4 =	vadd.s32 v1, v4;
	_ =	sdelay $0x1  }
0xa9: {  	v3 =	vadd.s32 v1, v3;
	_ =	sdelay $0x2  }
0xaa: {  	[tilespmem:s24], [sflag:$0x1] =	stream.indirect_vreg.gather [hbm4b:s1+s3], $0x80, v4, vm0, $0xb8;
	[tilespmem:$0x10100] =	vst v63  }
0xab: {  	_ = 	snop  }
0xac: {  	[tilespmem:s25], [sflag:$0x1] =	stream.indirect_vreg.gather [hbm4b:s1+s3], $0x80, v3, vm0, $0xb8;
	[tilespmem:$0x10100] =	vst v63  }
0xad: {  	v3 =	vld [tilespmem:$0xE0];
	_ =	sdelay $0x4  }
0xae: {  	v62 =	vshll.u32 v3, $0x1  }
0xaf: {  	v3 =	vand.u32 $0x7, v3;
	v4 =	vand.u32 $0xFFFFFFF0, v62  }
0xb0: {  	v3 =	vor.u32 v3, v4  }
0xb1: {  	v4 =	vperm.xlane v3, v0;
	_ =	sdelay $0x1  }
0xb2: {  	v3 =	vperm.xlane v3, v2;
	v4 =	vadd.s32 v1, v4;
	_ =	sdelay $0x1  }
0xb3: {  	v3 =	vadd.s32 v1, v3;
	_ =	sdelay $0x2  }
0xb4: {  	[tilespmem:s26], [sflag:$0x1] =	stream.indirect_vreg.gather [hbm4b:s1+s3], $0x80, v4, vm0, $0xb8;
	[tilespmem:$0x10100] =	vst v63  }
0xb5: {  	_ = 	snop  }
0xb6: {  	[tilespmem:s28], [sflag:$0x1] =	stream.indirect_vreg.gather [hbm4b:s1+s3], $0x80, v3, vm0, $0xb8;
	[tilespmem:$0x10100] =	vst v63  }
0xb7: {  	v3 =	vld [tilespmem:$0xF0];
	_ =	sdelay $0x4  }
0xb8: {  	v63 =	vshll.u32 v3, $0x1  }
0xb9: {  	v3 =	vand.u32 $0x7, v3;
	v4 =	vand.u32 $0xFFFFFFF0, v63  }
0xba: {  	v3 =	vor.u32 v3, v4  }
0xbb: {  	v4 =	vperm.xlane v3, v0;
	_ =	sdelay $0x1  }
0xbc: {  	v3 =	vperm.xlane v3, v2;
	v4 =	vadd.s32 v1, v4;
	_ =	sdelay $0x1  }
0xbd: {  	v3 =	vadd.s32 v1, v3;
	_ =	sdelay $0x2  }
0xbe: {  	[tilespmem:s29], [sflag:$0x1] =	stream.indirect_vreg.gather [hbm4b:s1+s3], $0x80, v4, vm0, $0xb8;
	[tilespmem:$0x10100] =	vst v63  }
0xbf: {  	_ = 	snop  }
0xc0: {  	[tilespmem:s30], [sflag:$0x1] =	stream.indirect_vreg.gather [hbm4b:s1+s3], $0x80, v3, vm0, $0xb8;
	[tilespmem:$0x10100] =	vst v63  }
0xc1: {  	_ =	swait.ge [sflag:s31], $0x8000  }
0xc2: {  	[sflag:s31] =	ssyncset.done $0x0  }
0xc3: {  	[sflag:s31] =	ssyncadd.s32 $0xFFFF8000  }
0xc4: {  	_ =	swait.ge [sflag:s31], $0x8000  }
0xc5: {  	[sflag:s31] =	ssyncset.done $0x0  }
0xc6: {  	s0 =	rddreg [dreg:$0x5];
	[sflag:s31] =	ssyncadd.s32 $0xFFFF8000  }
0xc7: {  	[hbm4b:s0+s3] =	stream.linear.scatter [tilespmem:s6], [sflag:$0x2], $0x10000, $0x38;
	[tilespmem:$0x10100] =	vst v63  }
0xc8: {  	s7 =	rddreg [dreg:$0x6]  }
0xc9: {  	[hbm4b:s7+s3] =	stream.linear.scatter [tilespmem:s6], [sflag:$0x2], $0x10000, $0x38;
	[tilespmem:$0x10100] =	vst v63  }
0xca: {  	p0 =	sne.s32 s4, $0x1;
	_ =	swait.ge [sflag:s2], $0x10000  }
.Ltmp0:
0xcb: {  	[sflag:s2] =	ssyncset.done $0x0;
	(pc) =	sbr.rel @p0 .LBB2_1-.Ltmp0, $4  }
0xcc: {  	[sflag:s2] =	ssyncadd.s32 $0xFFFF0000  }
0xcd: {  	_ =	swait.ge [sflag:s2], $0x10000  }
0xce: {  	[sflag:s2] =	ssyncset.done $0x0  }
0xcf: {  	s4 =	sadd.s32 $0xFFFFFFFF, s4;
	[sflag:s2] =	ssyncadd.s32 $0xFFFF0000  }
0xd0: {  	_ =	sfence.sel $0x180000  }
0xd1: {  	[bflag:$0x0] =	sbarrier.arrive $0xFFFF  }
0xd2: {  	_ =	strace $0x90000047  }
0xd3: {  	s0 =	stileid.u32;
	[bflag:$0x2] =	sbarrier.arrive $0xFFFF  }
0xd4: {  	p0 =	sne.s32 s0, $0x0;
	s0 =	rddreg [dreg:$0x3]  }
0xd5: {  	s0 =	sadd.s32 @!p0 $0x100000, s0  }
0xd6: {  	[sflag:s0] =	ssyncadd.tile.s32 @!p0 $0x1;
	_ =	shalt  }
.Lfunc_end2:
_tile_overlayer_lowered:
.L_overlay_start_2:
0xd7: {  	(tag) =	ssettag $0x2  }
0xd8: {  	s0 =	rddreg [dreg:$0x0];
	s2 =	stileid.u32  }
0xd9: {  	s1 =	rddreg [dreg:$0x1];
	p0 =	sne.s32 s2, $0x0  }
0xda: {  	s3 =	rddreg [dreg:$0x2];
	[bflag:$0x3] =	sbarrier.arrive $0xFFFF;
	s2 =	simm.s32 @!p0 $0x1C03  }
0xdb: {  	[timem:s3], [sflag:s2] =	dma.local @!p0 [hbm:s0], s1  }
0xdc: {  	s0 =	simm.s32 @!p0 $0x3  }
0xdd: {  	_ =	swait.ge @!p0 [sflag:s0], s1  }
0xde: {  	s1 =	ssub.s32 @!p0 $0x0, s1;
	[sflag:s0] =	ssyncset.done @!p0 $0x0  }
0xdf: {  	[sflag:s0] =	ssyncadd.s32 @!p0 s1  }
0xe0: {  	[bflag:$0x3] =	sbarrier.arrive $0xFFFF  }
0xe1: {  	_ =	shalt  }

</sc_bundles>
